<compile_context>
chip_gen: v7x
topology: tpu7x:2x2x1
jax: 0.10.2.dev20260603
libtpu: 0.0.44.dev20260713+nightly
codegen_flags: <defaults>
</compile_context>

<pallas_src>
import functools

import jax
import jax.numpy as jnp
from jax import lax
from jax.experimental import pallas as pl
from jax.experimental.pallas import tpu as pltpu
from jax.experimental.pallas import tpu_sc as plsc

N = 128
FLAT = N * N
L = 16


def _sc_body(nb, e, be, pk_hbm, w_hbm, out_hbm,
             ivm, jvm, tvm, wvm, buf0, buf1, sem0, sem1):
    wid = lax.axis_index("s") * 2 + lax.axis_index("c")
    base = wid * nb
    chunks = e // L
    bufs = (buf0, buf1)
    sems = (sem0, sem1)

    stage = [
        pltpu.async_copy(pk_hbm.at[pl.ds(base * e, nb * e)], ivm, sem0),
        pltpu.async_copy(pk_hbm.at[pl.ds(be + base * e, nb * e)], jvm, sem0),
        pltpu.async_copy(pk_hbm.at[pl.ds(2 * be + base * e, nb * e)], tvm, sem0),
        pltpu.async_copy(w_hbm, wvm, sem0),
    ]

    zeros = jnp.zeros((L,), jnp.float32)

    def zero_init(i, carry):
        s = i * (8 * L)
        for buf in bufs:
            for u in range(8):
                buf[pl.ds(s + u * L, L)] = zeros
        return carry

    lax.fori_loop(0, FLAT // (8 * L), zero_init, 0)
    for d in stage:
        d.wait()

    def scatter_batch(k, buf):
        off = k * e

        def body(c, carry):
            s = off + c * L
            iv = ivm[pl.ds(s, L)] + 1
            jv = jvm[pl.ds(s, L)] + 1
            wv = plsc.load_gather(wvm, [tvm[pl.ds(s, L)]])
            plsc.store_scatter(buf, [iv * N + jv], wv)
            plsc.store_scatter(buf, [jv * N + iv], wv)
            return carry

        lax.fori_loop(0, chunks, body, 0)

    def clear_batch(k, buf):
        off = k * e

        def body(c, carry):
            s = off + c * L
            iv = ivm[pl.ds(s, L)] + 1
            jv = jvm[pl.ds(s, L)] + 1
            plsc.store_scatter(buf, [iv * N + jv], zeros)
            plsc.store_scatter(buf, [jv * N + iv], zeros)
            return carry

        lax.fori_loop(0, chunks, body, 0)

    def out_slice(k):
        return out_hbm.at[pl.ds((base + k) * FLAT, FLAT)]

    def group(g, carry):
        for slot in range(2):
            k = g * 2 + slot
            buf, sem = bufs[slot], sems[slot]

            @pl.when(g > 0)
            def _():
                pltpu.make_async_copy(buf, out_slice(k - 2), sem).wait()
                clear_batch(k - 2, buf)

            scatter_batch(k, buf)
            pltpu.async_copy(buf, out_slice(k), sem)
        return carry

    lax.fori_loop(0, nb // 2, group, 0)
    for slot in range(2):
        k = nb - 2 + slot
        pltpu.make_async_copy(bufs[slot], out_slice(k), sems[slot]).wait()


def kernel(bond_idx, bond_type_idx, num_nodes, batch_size, bond_weights):
    b, e = bond_type_idx.shape
    nw = 32
    nb = b // nw

    pk = jnp.concatenate([bond_idx[..., 0], bond_idx[..., 1],
                          bond_type_idx], axis=0).reshape(-1)
    ww = bond_weights

    mesh = plsc.VectorSubcoreMesh(core_axis_name="c", subcore_axis_name="s")
    run = pl.kernel(
        functools.partial(_sc_body, nb, e, b * e),
        out_type=jax.ShapeDtypeStruct((b * FLAT,), jnp.float32),
        mesh=mesh,
        compiler_params=pltpu.CompilerParams(needs_layout_passes=False),
        scratch_types=[
            pltpu.VMEM((nb * e,), jnp.int32),
            pltpu.VMEM((nb * e,), jnp.int32),
            pltpu.VMEM((nb * e,), jnp.int32),
            pltpu.VMEM((bond_weights.shape[0],), jnp.float32),
            pltpu.VMEM((FLAT,), jnp.float32),
            pltpu.VMEM((FLAT,), jnp.float32),
            pltpu.SemaphoreType.DMA,
            pltpu.SemaphoreType.DMA,
        ],
    )
    out = run(pk, ww)
    return out.reshape(b, N, N)

# --- scband reference (transcript-rebuilt; emitter-appended) ---
"""Pipeline reference for scband-bond-weight-41738492182540 (READ-ONLY COPY).

The authoritative reference and input builder live on the scoring server;
editing this copy changes nothing except your own understanding.
"""

import jax, jax.numpy as jnp
import numpy as np

NUM_BOND_TYPES = 4
BATCH = 256
E = 256
NUM_NODES = 128

def setup_inputs(seed: int = 0) -> dict:
    key = jax.random.key(seed)
    k1, k2, k3 = jax.random.split(key, 3)
    bond_idx = jax.random.randint(k1, (BATCH, E, 2), 0, 127, dtype=jnp.int32)
    bond_type_idx = jax.random.randint(k2, (BATCH, E), 0, NUM_BOND_TYPES, dtype=jnp.int32)
    # learned parameters: one scalar weight per bond type (ParameterDict of torch.tensor(1.0))
    bond_weights = jnp.ones((NUM_BOND_TYPES,), dtype=jnp.float32)
    return {
        "bond_idx": bond_idx,
        "bond_type_idx": bond_type_idx,
        "num_nodes": NUM_NODES,
        "batch_size": BATCH,
        "bond_weights": bond_weights,
    }

def reference(bond_idx, bond_type_idx, num_nodes, batch_size, bond_weights):
    # Gather per-bond weights by bond type (embedding lookup of scalar weights)
    w = bond_weights[bond_type_idx]  # [B, E]
    i = bond_idx[..., 0] + 1         # +1 offset as in original
    j = bond_idx[..., 1] + 1
    B = bond_idx.shape[0]
    b = jnp.broadcast_to(jnp.arange(B)[:, None], i.shape)  # [B, E]
    zero = jnp.zeros((), dtype=jnp.float32) * (jnp.asarray(num_nodes, jnp.float32) + jnp.asarray(batch_size, jnp.float32))
    bond_matrix = jnp.zeros((B, NUM_NODES, NUM_NODES), dtype=jnp.float32) + zero
    # scatter-overwrite, symmetric (matches bond_matrix[b,i+1,j+1]=w; bond_matrix[b,j+1,i+1]=w)
    bond_matrix = bond_matrix.at[b, i, j].set(w)
    bond_matrix = bond_matrix.at[b, j, i].set(w)
    return bond_matrix

if __name__ == "__main__":
    import jax
    _d = setup_inputs()
    print(jax.jit(kernel)(*tuple(_d.values())))

</pallas_src>

<mosaic_0001>
#map = affine_map<(d0, d1) -> (0)>
module attributes {stable_mosaic.version = 14 : i64} {
  func.func @_sc_body(%arg0: i32, %arg1: i32, %arg2: memref<196608xi32, #tpu.memory_space<hbm>>, %arg3: memref<4xf32, #tpu.memory_space<hbm>>, %arg4: memref<4194304xf32, #tpu.memory_space<hbm>>, %arg5: memref<2048xi32, #tpu.memory_space<vmem>>, %arg6: memref<2048xi32, #tpu.memory_space<vmem>>, %arg7: memref<2048xi32, #tpu.memory_space<vmem>>, %arg8: memref<4xf32, #tpu.memory_space<vmem>>, %arg9: memref<16384xf32, #tpu.memory_space<vmem>>, %arg10: memref<16384xf32, #tpu.memory_space<vmem>>, %arg11: memref<!tpu.dma_semaphore, #tpu.memory_space<semaphore_mem>>, %arg12: memref<!tpu.dma_semaphore, #tpu.memory_space<semaphore_mem>>) attributes {dimension_semantics = [#tpu.dimension_semantics<core_parallel>, #tpu.dimension_semantics<subcore_parallel>], iteration_bounds = array<i64: 2, 16>, scalar_prefetch = 0 : i64, scratch_operands = 8 : i64, tpu.core_type = #tpu.core_type<sc_vector_subcore>, window_params = [{transform_indices = #map}, {transform_indices = #map}, {transform_indices = #map}]} {
    %mul3A = arith.constant 2 : i32
    %mul3A_0 = arith.muli %arg1, %mul3A : i32
    %add3A = arith.addi %mul3A_0, %arg0 : i32
    %mul3A_1 = arith.constant 8 : i32
    %mul3A_2 = arith.muli %add3A, %mul3A_1 : i32
    %mul3A_3 = arith.constant 256 : i32
    %mul3A_4 = arith.muli %mul3A_2, %mul3A_3 : i32
    %dma_start3A = tpu.memref_slice %arg2[%mul3A_4] : memref<196608xi32, #tpu.memory_space<hbm>> -> memref<2048xi32, #tpu.memory_space<hbm>>
    %dma_start3A_5 = tpu.memref_slice %arg2[%mul3A_4] : memref<196608xi32, #tpu.memory_space<hbm>> -> memref<2048xi32, #tpu.memory_space<hbm>>
    tpu.enqueue_dma source(%dma_start3A_5 : memref<2048xi32, #tpu.memory_space<hbm>>) target(%arg5 : memref<2048xi32, #tpu.memory_space<vmem>>) target_semaphore(%arg11 : memref<!tpu.dma_semaphore, #tpu.memory_space<semaphore_mem>>)
    %mul3A_6 = arith.constant 256 : i32
    %mul3A_7 = arith.muli %mul3A_2, %mul3A_6 : i32
    %add3A_8 = arith.constant 65536 : i32
    %add3A_9 = arith.addi %add3A_8, %mul3A_7 : i32
    %dma_start3A_10 = tpu.memref_slice %arg2[%add3A_9] : memref<196608xi32, #tpu.memory_space<hbm>> -> memref<2048xi32, #tpu.memory_space<hbm>>
    %dma_start3A_11 = tpu.memref_slice %arg2[%add3A_9] : memref<196608xi32, #tpu.memory_space<hbm>> -> memref<2048xi32, #tpu.memory_space<hbm>>
    tpu.enqueue_dma source(%dma_start3A_11 : memref<2048xi32, #tpu.memory_space<hbm>>) target(%arg6 : memref<2048xi32, #tpu.memory_space<vmem>>) target_semaphore(%arg11 : memref<!tpu.dma_semaphore, #tpu.memory_space<semaphore_mem>>)
    %mul3A_12 = arith.constant 256 : i32
    %mul3A_13 = arith.muli %mul3A_2, %mul3A_12 : i32
    %add3A_14 = arith.constant 131072 : i32
    %add3A_15 = arith.addi %add3A_14, %mul3A_13 : i32
    %dma_start3A_16 = tpu.memref_slice %arg2[%add3A_15] : memref<196608xi32, #tpu.memory_space<hbm>> -> memref<2048xi32, #tpu.memory_space<hbm>>
    %dma_start3A_17 = tpu.memref_slice %arg2[%add3A_15] : memref<196608xi32, #tpu.memory_space<hbm>> -> memref<2048xi32, #tpu.memory_space<hbm>>
    tpu.enqueue_dma source(%dma_start3A_17 : memref<2048xi32, #tpu.memory_space<hbm>>) target(%arg7 : memref<2048xi32, #tpu.memory_space<vmem>>) target_semaphore(%arg11 : memref<!tpu.dma_semaphore, #tpu.memory_space<semaphore_mem>>)
    tpu.enqueue_dma source(%arg3 : memref<4xf32, #tpu.memory_space<hbm>>) target(%arg8 : memref<4xf32, #tpu.memory_space<vmem>>) target_semaphore(%arg11 : memref<!tpu.dma_semaphore, #tpu.memory_space<semaphore_mem>>)
    %broadcast_in_dim3A = arith.constant 0.000000e+00 : f32
    %broadcast_in_dim3A_18 = vector.broadcast %broadcast_in_dim3A : f32 to vector<16xf32>
    %scan3A = arith.constant 0 : i32
    %scan3A_19 = arith.constant 0 : i32
    %scan3A_20 = arith.constant 128 : i32
    %scan3A_21 = arith.addi %scan3A_19, %scan3A_20 : i32
    %scan3A_22 = arith.constant 1 : i32
    scf.for %scan3A_47 = %scan3A_19 to %scan3A_21 step %scan3A_22  : i32 {
      %mul3A_48 = arith.constant 128 : i32
      %mul3A_49 = arith.muli %scan3A_47, %mul3A_48 : i32
      %add3A_50 = arith.constant 0 : i32
      %add3A_51 = arith.addi %mul3A_49, %add3A_50 : i32
      %swap3A = arith.index_cast %add3A_51 : i32 to index
      %swap3A_52 = tpu.vector_load %arg9[%swap3A] {strides = array<i32>} : memref<16384xf32, #tpu.memory_space<vmem>>, vector<16xf32>,
      tpu.vector_store %arg9[%swap3A], %broadcast_in_dim3A_18 {strides = array<i32>} : memref<16384xf32, #tpu.memory_space<vmem>>, vector<16xf32>,
      %add3A_53 = arith.constant 16 : i32
      %add3A_54 = arith.addi %mul3A_49, %add3A_53 : i32
      %swap3A_55 = arith.index_cast %add3A_54 : i32 to index
      %swap3A_56 = tpu.vector_load %arg9[%swap3A_55] {strides = array<i32>} : memref<16384xf32, #tpu.memory_space<vmem>>, vector<16xf32>,
      tpu.vector_store %arg9[%swap3A_55], %broadcast_in_dim3A_18 {strides = array<i32>} : memref<16384xf32, #tpu.memory_space<vmem>>, vector<16xf32>,
      %add3A_57 = arith.constant 32 : i32
      %add3A_58 = arith.addi %mul3A_49, %add3A_57 : i32
      %swap3A_59 = arith.index_cast %add3A_58 : i32 to index
      %swap3A_60 = tpu.vector_load %arg9[%swap3A_59] {strides = array<i32>} : memref<16384xf32, #tpu.memory_space<vmem>>, vector<16xf32>,
      tpu.vector_store %arg9[%swap3A_59], %broadcast_in_dim3A_18 {strides = array<i32>} : memref<16384xf32, #tpu.memory_space<vmem>>, vector<16xf32>,
      %add3A_61 = arith.constant 48 : i32
      %add3A_62 = arith.addi %mul3A_49, %add3A_61 : i32
      %swap3A_63 = arith.index_cast %add3A_62 : i32 to index
      %swap3A_64 = tpu.vector_load %arg9[%swap3A_63] {strides = array<i32>} : memref<16384xf32, #tpu.memory_space<vmem>>, vector<16xf32>,
      tpu.vector_store %arg9[%swap3A_63], %broadcast_in_dim3A_18 {strides = array<i32>} : memref<16384xf32, #tpu.memory_space<vmem>>, vector<16xf32>,
      %add3A_65 = arith.constant 64 : i32
      %add3A_66 = arith.addi %mul3A_49, %add3A_65 : i32
      %swap3A_67 = arith.index_cast %add3A_66 : i32 to index
      %swap3A_68 = tpu.vector_load %arg9[%swap3A_67] {strides = array<i32>} : memref<16384xf32, #tpu.memory_space<vmem>>, vector<16xf32>,
      tpu.vector_store %arg9[%swap3A_67], %broadcast_in_dim3A_18 {strides = array<i32>} : memref<16384xf32, #tpu.memory_space<vmem>>, vector<16xf32>,
      %add3A_69 = arith.constant 80 : i32
      %add3A_70 = arith.addi %mul3A_49, %add3A_69 : i32
      %swap3A_71 = arith.index_cast %add3A_70 : i32 to index
      %swap3A_72 = tpu.vector_load %arg9[%swap3A_71] {strides = array<i32>} : memref<16384xf32, #tpu.memory_space<vmem>>, vector<16xf32>,
      tpu.vector_store %arg9[%swap3A_71], %broadcast_in_dim3A_18 {strides = array<i32>} : memref<16384xf32, #tpu.memory_space<vmem>>, vector<16xf32>,
      %add3A_73 = arith.constant 96 : i32
      %add3A_74 = arith.addi %mul3A_49, %add3A_73 : i32
      %swap3A_75 = arith.index_cast %add3A_74 : i32 to index
      %swap3A_76 = tpu.vector_load %arg9[%swap3A_75] {strides = array<i32>} : memref<16384xf32, #tpu.memory_space<vmem>>, vector<16xf32>,
      tpu.vector_store %arg9[%swap3A_75], %broadcast_in_dim3A_18 {strides = array<i32>} : memref<16384xf32, #tpu.memory_space<vmem>>, vector<16xf32>,
      %add3A_77 = arith.constant 112 : i32
      %add3A_78 = arith.addi %mul3A_49, %add3A_77 : i32
      %swap3A_79 = arith.index_cast %add3A_78 : i32 to index
      %swap3A_80 = tpu.vector_load %arg9[%swap3A_79] {strides = array<i32>} : memref<16384xf32, #tpu.memory_space<vmem>>, vector<16xf32>,
      tpu.vector_store %arg9[%swap3A_79], %broadcast_in_dim3A_18 {strides = array<i32>} : memref<16384xf32, #tpu.memory_space<vmem>>, vector<16xf32>,
      %add3A_81 = arith.constant 0 : i32
      %add3A_82 = arith.addi %mul3A_49, %add3A_81 : i32
      %swap3A_83 = arith.index_cast %add3A_82 : i32 to index
      %swap3A_84 = tpu.vector_load %arg10[%swap3A_83] {strides = array<i32>} : memref<16384xf32, #tpu.memory_space<vmem>>, vector<16xf32>,
      tpu.vector_store %arg10[%swap3A_83], %broadcast_in_dim3A_18 {strides = array<i32>} : memref<16384xf32, #tpu.memory_space<vmem>>, vector<16xf32>,
      %add3A_85 = arith.constant 16 : i32
      %add3A_86 = arith.addi %mul3A_49, %add3A_85 : i32
      %swap3A_87 = arith.index_cast %add3A_86 : i32 to index
      %swap3A_88 = tpu.vector_load %arg10[%swap3A_87] {strides = array<i32>} : memref<16384xf32, #tpu.memory_space<vmem>>, vector<16xf32>,
      tpu.vector_store %arg10[%swap3A_87], %broadcast_in_dim3A_18 {strides = array<i32>} : memref<16384xf32, #tpu.memory_space<vmem>>, vector<16xf32>,
      %add3A_89 = arith.constant 32 : i32
      %add3A_90 = arith.addi %mul3A_49, %add3A_89 : i32
      %swap3A_91 = arith.index_cast %add3A_90 : i32 to index
      %swap3A_92 = tpu.vector_load %arg10[%swap3A_91] {strides = array<i32>} : memref<16384xf32, #tpu.memory_space<vmem>>, vector<16xf32>,
      tpu.vector_store %arg10[%swap3A_91], %broadcast_in_dim3A_18 {strides = array<i32>} : memref<16384xf32, #tpu.memory_space<vmem>>, vector<16xf32>,
      %add3A_93 = arith.constant 48 : i32
      %add3A_94 = arith.addi %mul3A_49, %add3A_93 : i32
      %swap3A_95 = arith.index_cast %add3A_94 : i32 to index
      %swap3A_96 = tpu.vector_load %arg10[%swap3A_95] {strides = array<i32>} : memref<16384xf32, #tpu.memory_space<vmem>>, vector<16xf32>,
      tpu.vector_store %arg10[%swap3A_95], %broadcast_in_dim3A_18 {strides = array<i32>} : memref<16384xf32, #tpu.memory_space<vmem>>, vector<16xf32>,
      %add3A_97 = arith.constant 64 : i32
      %add3A_98 = arith.addi %mul3A_49, %add3A_97 : i32
      %swap3A_99 = arith.index_cast %add3A_98 : i32 to index
      %swap3A_100 = tpu.vector_load %arg10[%swap3A_99] {strides = array<i32>} : memref<16384xf32, #tpu.memory_space<vmem>>, vector<16xf32>,
      tpu.vector_store %arg10[%swap3A_99], %broadcast_in_dim3A_18 {strides = array<i32>} : memref<16384xf32, #tpu.memory_space<vmem>>, vector<16xf32>,
      %add3A_101 = arith.constant 80 : i32
      %add3A_102 = arith.addi %mul3A_49, %add3A_101 : i32
      %swap3A_103 = arith.index_cast %add3A_102 : i32 to index
      %swap3A_104 = tpu.vector_load %arg10[%swap3A_103] {strides = array<i32>} : memref<16384xf32, #tpu.memory_space<vmem>>, vector<16xf32>,
      tpu.vector_store %arg10[%swap3A_103], %broadcast_in_dim3A_18 {strides = array<i32>} : memref<16384xf32, #tpu.memory_space<vmem>>, vector<16xf32>,
      %add3A_105 = arith.constant 96 : i32
      %add3A_106 = arith.addi %mul3A_49, %add3A_105 : i32
      %swap3A_107 = arith.index_cast %add3A_106 : i32 to index
      %swap3A_108 = tpu.vector_load %arg10[%swap3A_107] {strides = array<i32>} : memref<16384xf32, #tpu.memory_space<vmem>>, vector<16xf32>,
      tpu.vector_store %arg10[%swap3A_107], %broadcast_in_dim3A_18 {strides = array<i32>} : memref<16384xf32, #tpu.memory_space<vmem>>, vector<16xf32>,
      %add3A_109 = arith.constant 112 : i32
      %add3A_110 = arith.addi %mul3A_49, %add3A_109 : i32
      %swap3A_111 = arith.index_cast %add3A_110 : i32 to index
      %swap3A_112 = tpu.vector_load %arg10[%swap3A_111] {strides = array<i32>} : memref<16384xf32, #tpu.memory_space<vmem>>, vector<16xf32>,
      tpu.vector_store %arg10[%swap3A_111], %broadcast_in_dim3A_18 {strides = array<i32>} : memref<16384xf32, #tpu.memory_space<vmem>>, vector<16xf32>,
    }
    %scan3A_23 = arith.constant 128 : i32
    %dma_wait3A = tpu.memref_slice %arg2[%mul3A_4] : memref<196608xi32, #tpu.memory_space<hbm>> -> memref<2048xi32, #tpu.memory_space<hbm>>
    %dma_wait3A_24 = tpu.memref_slice %arg2[%mul3A_4] : memref<196608xi32, #tpu.memory_space<hbm>> -> memref<2048xi32, #tpu.memory_space<hbm>>
    tpu.wait_dma2 semaphore(%arg11 : memref<!tpu.dma_semaphore, #tpu.memory_space<semaphore_mem>>) src(%dma_wait3A_24 : memref<2048xi32, #tpu.memory_space<hbm>>) dst(%arg5 : memref<2048xi32, #tpu.memory_space<vmem>>)
    %dma_wait3A_25 = tpu.memref_slice %arg2[%add3A_9] : memref<196608xi32, #tpu.memory_space<hbm>> -> memref<2048xi32, #tpu.memory_space<hbm>>
    %dma_wait3A_26 = tpu.memref_slice %arg2[%add3A_9] : memref<196608xi32, #tpu.memory_space<hbm>> -> memref<2048xi32, #tpu.memory_space<hbm>>
    tpu.wait_dma2 semaphore(%arg11 : memref<!tpu.dma_semaphore, #tpu.memory_space<semaphore_mem>>) src(%dma_wait3A_26 : memref<2048xi32, #tpu.memory_space<hbm>>) dst(%arg6 : memref<2048xi32, #tpu.memory_space<vmem>>)
    %dma_wait3A_27 = tpu.memref_slice %arg2[%add3A_15] : memref<196608xi32, #tpu.memory_space<hbm>> -> memref<2048xi32, #tpu.memory_space<hbm>>
    %dma_wait3A_28 = tpu.memref_slice %arg2[%add3A_15] : memref<196608xi32, #tpu.memory_space<hbm>> -> memref<2048xi32, #tpu.memory_space<hbm>>
    tpu.wait_dma2 semaphore(%arg11 : memref<!tpu.dma_semaphore, #tpu.memory_space<semaphore_mem>>) src(%dma_wait3A_28 : memref<2048xi32, #tpu.memory_space<hbm>>) dst(%arg7 : memref<2048xi32, #tpu.memory_space<vmem>>)
    tpu.wait_dma2 semaphore(%arg11 : memref<!tpu.dma_semaphore, #tpu.memory_space<semaphore_mem>>) src(%arg3 : memref<4xf32, #tpu.memory_space<hbm>>) dst(%arg8 : memref<4xf32, #tpu.memory_space<vmem>>)
    %scan3A_29 = arith.constant 0 : i32
    %scan3A_30 = arith.constant 0 : i32
    %scan3A_31 = arith.constant 4 : i32
    %scan3A_32 = arith.addi %scan3A_30, %scan3A_31 : i32
    %scan3A_33 = arith.constant 1 : i32
    scf.for %scan3A_47 = %scan3A_30 to %scan3A_32 step %scan3A_33  : i32 {
      %mul3A_48 = arith.constant 2 : i32
      %mul3A_49 = arith.muli %scan3A_47, %mul3A_48 : i32
      %add3A_50 = arith.constant 0 : i32
      %add3A_51 = arith.addi %mul3A_49, %add3A_50 : i32
      %gt3A = arith.constant 0 : i32
      %gt3A_52 = arith.cmpi sgt, %scan3A_47, %gt3A : i32
      %convert_element_type3A = arith.extui %gt3A_52 : i1 to i32
      %cond3A = arith.constant 0 : i32
      %cond3A_53 = arith.cmpi ne, %convert_element_type3A, %cond3A : i32
      scf.if %cond3A_53 {
        %sub3A = arith.constant 2 : i32
        %sub3A_89 = arith.subi %add3A_51, %sub3A : i32
        %add3A_90 = arith.addi %mul3A_2, %sub3A_89 : i32
        %mul3A_91 = arith.constant 16384 : i32
        %mul3A_92 = arith.muli %add3A_90, %mul3A_91 : i32
        %dma_wait3A_93 = tpu.memref_slice %arg4[%mul3A_92] : memref<4194304xf32, #tpu.memory_space<hbm>> -> memref<16384xf32, #tpu.memory_space<hbm>>
        %dma_wait3A_94 = tpu.memref_slice %arg4[%mul3A_92] : memref<4194304xf32, #tpu.memory_space<hbm>> -> memref<16384xf32, #tpu.memory_space<hbm>>
        tpu.wait_dma2 semaphore(%arg11 : memref<!tpu.dma_semaphore, #tpu.memory_space<semaphore_mem>>) src(%arg9 : memref<16384xf32, #tpu.memory_space<vmem>>) dst(%dma_wait3A_94 : memref<16384xf32, #tpu.memory_space<hbm>>)
        %sub3A_95 = arith.constant 2 : i32
        %sub3A_96 = arith.subi %add3A_51, %sub3A_95 : i32
        %mul3A_97 = arith.constant 256 : i32
        %mul3A_98 = arith.muli %sub3A_96, %mul3A_97 : i32
        %scan3A_99 = arith.constant 0 : i32
        %scan3A_100 = arith.constant 0 : i32
        %scan3A_101 = arith.constant 16 : i32
        %scan3A_102 = arith.addi %scan3A_100, %scan3A_101 : i32
        %scan3A_103 = arith.constant 1 : i32
        scf.for %scan3A_105 = %scan3A_100 to %scan3A_102 step %scan3A_103  : i32 {
          %mul3A_106 = arith.constant 16 : i32
          %mul3A_107 = arith.muli %scan3A_105, %mul3A_106 : i32
          %add3A_108 = arith.addi %mul3A_98, %mul3A_107 : i32
          %get3A = arith.index_cast %add3A_108 : i32 to index
          %get3A_109 = tpu.vector_load %arg5[%get3A] {strides = array<i32>} : memref<2048xi32, #tpu.memory_space<vmem>>, vector<16xi32>,
          %add3A_110 = arith.constant 1 : i32
          %add3A_111 = vector.broadcast %add3A_110 : i32 to vector<16xi32>
          %add3A_112 = arith.addi %get3A_109, %add3A_111 : vector<16xi32>
          %get3A_113 = arith.index_cast %add3A_108 : i32 to index
          %get3A_114 = tpu.vector_load %arg6[%get3A_113] {strides = array<i32>} : memref<2048xi32, #tpu.memory_space<vmem>>, vector<16xi32>,
          %add3A_115 = arith.constant 1 : i32
          %add3A_116 = vector.broadcast %add3A_115 : i32 to vector<16xi32>
          %add3A_117 = arith.addi %get3A_114, %add3A_116 : vector<16xi32>
          %mul3A_118 = arith.constant 128 : i32
          %mul3A_119 = vector.broadcast %mul3A_118 : i32 to vector<16xi32>
          %mul3A_120 = arith.muli %add3A_112, %mul3A_119 : vector<16xi32>
          %add3A_121 = arith.addi %mul3A_120, %add3A_117 : vector<16xi32>
          tpu.vector_store_idx %arg9[%add3A_121], %broadcast_in_dim3A_18 : memref<16384xf32, #tpu.memory_space<vmem>>[vector<16xi32>], vector<16xf32>,
          %mul3A_122 = arith.constant 128 : i32
          %mul3A_123 = vector.broadcast %mul3A_122 : i32 to vector<16xi32>
          %mul3A_124 = arith.muli %add3A_117, %mul3A_123 : vector<16xi32>
          %add3A_125 = arith.addi %mul3A_124, %add3A_112 : vector<16xi32>
          tpu.vector_store_idx %arg9[%add3A_125], %broadcast_in_dim3A_18 : memref<16384xf32, #tpu.memory_space<vmem>>[vector<16xi32>], vector<16xf32>,
        }
        %scan3A_104 = arith.constant 16 : i32
      } else {
      }
      %mul3A_54 = arith.constant 256 : i32
      %mul3A_55 = arith.muli %add3A_51, %mul3A_54 : i32
      %scan3A_56 = arith.constant 0 : i32
      %scan3A_57 = arith.constant 0 : i32
      %scan3A_58 = arith.constant 16 : i32
      %scan3A_59 = arith.addi %scan3A_57, %scan3A_58 : i32
      %scan3A_60 = arith.constant 1 : i32
      scf.for %scan3A_89 = %scan3A_57 to %scan3A_59 step %scan3A_60  : i32 {
        %mul3A_90 = arith.constant 16 : i32
        %mul3A_91 = arith.muli %scan3A_89, %mul3A_90 : i32
        %add3A_92 = arith.addi %mul3A_55, %mul3A_91 : i32
        %get3A = arith.index_cast %add3A_92 : i32 to index
        %get3A_93 = tpu.vector_load %arg5[%get3A] {strides = array<i32>} : memref<2048xi32, #tpu.memory_space<vmem>>, vector<16xi32>,
        %add3A_94 = arith.constant 1 : i32
        %add3A_95 = vector.broadcast %add3A_94 : i32 to vector<16xi32>
        %add3A_96 = arith.addi %get3A_93, %add3A_95 : vector<16xi32>
        %get3A_97 = arith.index_cast %add3A_92 : i32 to index
        %get3A_98 = tpu.vector_load %arg6[%get3A_97] {strides = array<i32>} : memref<2048xi32, #tpu.memory_space<vmem>>, vector<16xi32>,
        %add3A_99 = arith.constant 1 : i32
        %add3A_100 = vector.broadcast %add3A_99 : i32 to vector<16xi32>
        %add3A_101 = arith.addi %get3A_98, %add3A_100 : vector<16xi32>
        %get3A_102 = arith.index_cast %add3A_92 : i32 to index
        %get3A_103 = tpu.vector_load %arg7[%get3A_102] {strides = array<i32>} : memref<2048xi32, #tpu.memory_space<vmem>>, vector<16xi32>,
        %gather3A = tpu.vector_load_idx %arg8[%get3A_103] : memref<4xf32, #tpu.memory_space<vmem>>[vector<16xi32>], vector<16xf32>,
        %mul3A_104 = arith.constant 128 : i32
        %mul3A_105 = vector.broadcast %mul3A_104 : i32 to vector<16xi32>
        %mul3A_106 = arith.muli %add3A_96, %mul3A_105 : vector<16xi32>
        %add3A_107 = arith.addi %mul3A_106, %add3A_101 : vector<16xi32>
        tpu.vector_store_idx %arg9[%add3A_107], %gather3A : memref<16384xf32, #tpu.memory_space<vmem>>[vector<16xi32>], vector<16xf32>,
        %mul3A_108 = arith.constant 128 : i32
        %mul3A_109 = vector.broadcast %mul3A_108 : i32 to vector<16xi32>
        %mul3A_110 = arith.muli %add3A_101, %mul3A_109 : vector<16xi32>
        %add3A_111 = arith.addi %mul3A_110, %add3A_96 : vector<16xi32>
        tpu.vector_store_idx %arg9[%add3A_111], %gather3A : memref<16384xf32, #tpu.memory_space<vmem>>[vector<16xi32>], vector<16xf32>,
      }
      %scan3A_61 = arith.constant 16 : i32
      %add3A_62 = arith.addi %mul3A_2, %add3A_51 : i32
      %mul3A_63 = arith.constant 16384 : i32
      %mul3A_64 = arith.muli %add3A_62, %mul3A_63 : i32
      %dma_start3A_65 = tpu.memref_slice %arg4[%mul3A_64] : memref<4194304xf32, #tpu.memory_space<hbm>> -> memref<16384xf32, #tpu.memory_space<hbm>>
      %dma_start3A_66 = tpu.memref_slice %arg4[%mul3A_64] : memref<4194304xf32, #tpu.memory_space<hbm>> -> memref<16384xf32, #tpu.memory_space<hbm>>
      tpu.enqueue_dma source(%arg9 : memref<16384xf32, #tpu.memory_space<vmem>>) target(%dma_start3A_66 : memref<16384xf32, #tpu.memory_space<hbm>>) target_semaphore(%arg11 : memref<!tpu.dma_semaphore, #tpu.memory_space<semaphore_mem>>)
      %mul3A_67 = arith.constant 2 : i32
      %mul3A_68 = arith.muli %scan3A_47, %mul3A_67 : i32
      %add3A_69 = arith.constant 1 : i32
      %add3A_70 = arith.addi %mul3A_68, %add3A_69 : i32
      %gt3A_71 = arith.constant 0 : i32
      %gt3A_72 = arith.cmpi sgt, %scan3A_47, %gt3A_71 : i32
      %convert_element_type3A_73 = arith.extui %gt3A_72 : i1 to i32
      %cond3A_74 = arith.constant 0 : i32
      %cond3A_75 = arith.cmpi ne, %convert_element_type3A_73, %cond3A_74 : i32
      scf.if %cond3A_75 {
        %sub3A = arith.constant 2 : i32
        %sub3A_89 = arith.subi %add3A_70, %sub3A : i32
        %add3A_90 = arith.addi %mul3A_2, %sub3A_89 : i32
        %mul3A_91 = arith.constant 16384 : i32
        %mul3A_92 = arith.muli %add3A_90, %mul3A_91 : i32
        %dma_wait3A_93 = tpu.memref_slice %arg4[%mul3A_92] : memref<4194304xf32, #tpu.memory_space<hbm>> -> memref<16384xf32, #tpu.memory_space<hbm>>
        %dma_wait3A_94 = tpu.memref_slice %arg4[%mul3A_92] : memref<4194304xf32, #tpu.memory_space<hbm>> -> memref<16384xf32, #tpu.memory_space<hbm>>
        tpu.wait_dma2 semaphore(%arg12 : memref<!tpu.dma_semaphore, #tpu.memory_space<semaphore_mem>>) src(%arg10 : memref<16384xf32, #tpu.memory_space<vmem>>) dst(%dma_wait3A_94 : memref<16384xf32, #tpu.memory_space<hbm>>)
        %sub3A_95 = arith.constant 2 : i32
        %sub3A_96 = arith.subi %add3A_70, %sub3A_95 : i32
        %mul3A_97 = arith.constant 256 : i32
        %mul3A_98 = arith.muli %sub3A_96, %mul3A_97 : i32
        %scan3A_99 = arith.constant 0 : i32
        %scan3A_100 = arith.constant 0 : i32
        %scan3A_101 = arith.constant 16 : i32
        %scan3A_102 = arith.addi %scan3A_100, %scan3A_101 : i32
        %scan3A_103 = arith.constant 1 : i32
        scf.for %scan3A_105 = %scan3A_100 to %scan3A_102 step %scan3A_103  : i32 {
          %mul3A_106 = arith.constant 16 : i32
          %mul3A_107 = arith.muli %scan3A_105, %mul3A_106 : i32
          %add3A_108 = arith.addi %mul3A_98, %mul3A_107 : i32
          %get3A = arith.index_cast %add3A_108 : i32 to index
          %get3A_109 = tpu.vector_load %arg5[%get3A] {strides = array<i32>} : memref<2048xi32, #tpu.memory_space<vmem>>, vector<16xi32>,
          %add3A_110 = arith.constant 1 : i32
          %add3A_111 = vector.broadcast %add3A_110 : i32 to vector<16xi32>
          %add3A_112 = arith.addi %get3A_109, %add3A_111 : vector<16xi32>
          %get3A_113 = arith.index_cast %add3A_108 : i32 to index
          %get3A_114 = tpu.vector_load %arg6[%get3A_113] {strides = array<i32>} : memref<2048xi32, #tpu.memory_space<vmem>>, vector<16xi32>,
          %add3A_115 = arith.constant 1 : i32
          %add3A_116 = vector.broadcast %add3A_115 : i32 to vector<16xi32>
          %add3A_117 = arith.addi %get3A_114, %add3A_116 : vector<16xi32>
          %mul3A_118 = arith.constant 128 : i32
          %mul3A_119 = vector.broadcast %mul3A_118 : i32 to vector<16xi32>
          %mul3A_120 = arith.muli %add3A_112, %mul3A_119 : vector<16xi32>
          %add3A_121 = arith.addi %mul3A_120, %add3A_117 : vector<16xi32>
          tpu.vector_store_idx %arg10[%add3A_121], %broadcast_in_dim3A_18 : memref<16384xf32, #tpu.memory_space<vmem>>[vector<16xi32>], vector<16xf32>,
          %mul3A_122 = arith.constant 128 : i32
          %mul3A_123 = vector.broadcast %mul3A_122 : i32 to vector<16xi32>
          %mul3A_124 = arith.muli %add3A_117, %mul3A_123 : vector<16xi32>
          %add3A_125 = arith.addi %mul3A_124, %add3A_112 : vector<16xi32>
          tpu.vector_store_idx %arg10[%add3A_125], %broadcast_in_dim3A_18 : memref<16384xf32, #tpu.memory_space<vmem>>[vector<16xi32>], vector<16xf32>,
        }
        %scan3A_104 = arith.constant 16 : i32
      } else {
      }
      %mul3A_76 = arith.constant 256 : i32
      %mul3A_77 = arith.muli %add3A_70, %mul3A_76 : i32
      %scan3A_78 = arith.constant 0 : i32
      %scan3A_79 = arith.constant 0 : i32
      %scan3A_80 = arith.constant 16 : i32
      %scan3A_81 = arith.addi %scan3A_79, %scan3A_80 : i32
      %scan3A_82 = arith.constant 1 : i32
      scf.for %scan3A_89 = %scan3A_79 to %scan3A_81 step %scan3A_82  : i32 {
        %mul3A_90 = arith.constant 16 : i32
        %mul3A_91 = arith.muli %scan3A_89, %mul3A_90 : i32
        %add3A_92 = arith.addi %mul3A_77, %mul3A_91 : i32
        %get3A = arith.index_cast %add3A_92 : i32 to index
        %get3A_93 = tpu.vector_load %arg5[%get3A] {strides = array<i32>} : memref<2048xi32, #tpu.memory_space<vmem>>, vector<16xi32>,
        %add3A_94 = arith.constant 1 : i32
        %add3A_95 = vector.broadcast %add3A_94 : i32 to vector<16xi32>
        %add3A_96 = arith.addi %get3A_93, %add3A_95 : vector<16xi32>
        %get3A_97 = arith.index_cast %add3A_92 : i32 to index
        %get3A_98 = tpu.vector_load %arg6[%get3A_97] {strides = array<i32>} : memref<2048xi32, #tpu.memory_space<vmem>>, vector<16xi32>,
        %add3A_99 = arith.constant 1 : i32
        %add3A_100 = vector.broadcast %add3A_99 : i32 to vector<16xi32>
        %add3A_101 = arith.addi %get3A_98, %add3A_100 : vector<16xi32>
        %get3A_102 = arith.index_cast %add3A_92 : i32 to index
        %get3A_103 = tpu.vector_load %arg7[%get3A_102] {strides = array<i32>} : memref<2048xi32, #tpu.memory_space<vmem>>, vector<16xi32>,
        %gather3A = tpu.vector_load_idx %arg8[%get3A_103] : memref<4xf32, #tpu.memory_space<vmem>>[vector<16xi32>], vector<16xf32>,
        %mul3A_104 = arith.constant 128 : i32
        %mul3A_105 = vector.broadcast %mul3A_104 : i32 to vector<16xi32>
        %mul3A_106 = arith.muli %add3A_96, %mul3A_105 : vector<16xi32>
        %add3A_107 = arith.addi %mul3A_106, %add3A_101 : vector<16xi32>
        tpu.vector_store_idx %arg10[%add3A_107], %gather3A : memref<16384xf32, #tpu.memory_space<vmem>>[vector<16xi32>], vector<16xf32>,
        %mul3A_108 = arith.constant 128 : i32
        %mul3A_109 = vector.broadcast %mul3A_108 : i32 to vector<16xi32>
        %mul3A_110 = arith.muli %add3A_101, %mul3A_109 : vector<16xi32>
        %add3A_111 = arith.addi %mul3A_110, %add3A_96 : vector<16xi32>
        tpu.vector_store_idx %arg10[%add3A_111], %gather3A : memref<16384xf32, #tpu.memory_space<vmem>>[vector<16xi32>], vector<16xf32>,
      }
      %scan3A_83 = arith.constant 16 : i32
      %add3A_84 = arith.addi %mul3A_2, %add3A_70 : i32
      %mul3A_85 = arith.constant 16384 : i32
      %mul3A_86 = arith.muli %add3A_84, %mul3A_85 : i32
      %dma_start3A_87 = tpu.memref_slice %arg4[%mul3A_86] : memref<4194304xf32, #tpu.memory_space<hbm>> -> memref<16384xf32, #tpu.memory_space<hbm>>
      %dma_start3A_88 = tpu.memref_slice %arg4[%mul3A_86] : memref<4194304xf32, #tpu.memory_space<hbm>> -> memref<16384xf32, #tpu.memory_space<hbm>>
      tpu.enqueue_dma source(%arg10 : memref<16384xf32, #tpu.memory_space<vmem>>) target(%dma_start3A_88 : memref<16384xf32, #tpu.memory_space<hbm>>) target_semaphore(%arg12 : memref<!tpu.dma_semaphore, #tpu.memory_space<semaphore_mem>>)
    }
    %scan3A_34 = arith.constant 4 : i32
    %add3A_35 = arith.constant 6 : i32
    %add3A_36 = arith.addi %mul3A_2, %add3A_35 : i32
    %mul3A_37 = arith.constant 16384 : i32
    %mul3A_38 = arith.muli %add3A_36, %mul3A_37 : i32
    %dma_wait3A_39 = tpu.memref_slice %arg4[%mul3A_38] : memref<4194304xf32, #tpu.memory_space<hbm>> -> memref<16384xf32, #tpu.memory_space<hbm>>
    %dma_wait3A_40 = tpu.memref_slice %arg4[%mul3A_38] : memref<4194304xf32, #tpu.memory_space<hbm>> -> memref<16384xf32, #tpu.memory_space<hbm>>
    tpu.wait_dma2 semaphore(%arg11 : memref<!tpu.dma_semaphore, #tpu.memory_space<semaphore_mem>>) src(%arg9 : memref<16384xf32, #tpu.memory_space<vmem>>) dst(%dma_wait3A_40 : memref<16384xf32, #tpu.memory_space<hbm>>)
    %add3A_41 = arith.constant 7 : i32
    %add3A_42 = arith.addi %mul3A_2, %add3A_41 : i32
    %mul3A_43 = arith.constant 16384 : i32
    %mul3A_44 = arith.muli %add3A_42, %mul3A_43 : i32
    %dma_wait3A_45 = tpu.memref_slice %arg4[%mul3A_44] : memref<4194304xf32, #tpu.memory_space<hbm>> -> memref<16384xf32, #tpu.memory_space<hbm>>
    %dma_wait3A_46 = tpu.memref_slice %arg4[%mul3A_44] : memref<4194304xf32, #tpu.memory_space<hbm>> -> memref<16384xf32, #tpu.memory_space<hbm>>
    tpu.wait_dma2 semaphore(%arg12 : memref<!tpu.dma_semaphore, #tpu.memory_space<semaphore_mem>>) src(%arg10 : memref<16384xf32, #tpu.memory_space<vmem>>) dst(%dma_wait3A_46 : memref<16384xf32, #tpu.memory_space<hbm>>)
    return
  }
}

</mosaic_0001>

<sc_bundles>
// kernel: kernel.3.cloned.1.call-start
scs
__scs_entry_jumppad:
0x0: {  	(pc) =	sbr.rel $0x88, $3  }
0x1: {  	(tag) =	ssettag $0x0;
	lr =	simm.s32 $0x1  }
0x2: {  	[smem:$0x3F9E] =	sst lr;
	_ =	strace $0xD0000000  }
0x3: {  	_ = 	snop  }
0x4: {  	_ = 	snop  }
0x5: {  	_ = 	snop  }
0x6: {  	_ = 	snop  }
0x7: {  	_ = 	snop  }
__scs_overlays_trampoline_lowered:
0x8: {  	[smem:$0x3FAD] =	sst s0  }
0x9: {  	[smem:$0x3FAE] =	sst s1  }
0xa: {  	[smem:$0x3FAF] =	sst s2  }
0xb: {  	[smem:$0x3FB0] =	sst s3  }
0xc: {  	[smem:$0x3FB1] =	sst s4  }
0xd: {  	[smem:$0x3FB2] =	sst s5  }
0xe: {  	[smem:$0x3FB3] =	sst s6  }
0xf: {  	[smem:$0x3FB4] =	sst s7  }
0x10: {  	[smem:$0x3FB5] =	sst s8  }
0x11: {  	[smem:$0x3FB6] =	sst s9;
	s0 =	simm.s32 @!p0 $0x0  }
0x12: {  	s1 =	sld [smem:$0x3F9C];
	s0 =	simm.s32 @p0 $0x1  }
0x13: {  	[smem:$0x3FB7] =	sst s0;
	s0 =	simm.s32 @!p1 $0x0  }
0x14: {  	s2 =	sld [smem:$0x3F9B];
	s0 =	simm.s32 @p1 $0x1  }
0x15: {  	[smem:$0x3FB8] =	sst s0;
	s0 =	simm.s32 @!p2 $0x0  }
0x16: {  	s3 =	sld [smem:$0x3FDB];
	s0 =	simm.s32 @p2 $0x1  }
0x17: {  	s4 =	simm.s32 $0x1BF5;
	[smem:$0x3FBA] =	sst s0  }
0x18: {  	s0 =	sld [smem:$0x3F9D];
	_ =	swait.ge [sflag:s4], $0x0  }
0x19: {  	s7 =	sld [smem:$0x3F9E]  }
0x1a: {  	s8 =	sadd.s32 $0xFFFFE003, lr  }
0x1b: {  	s9 =	sadd.s32 $0xFFFFFEF7, lr;
	s5 =	simm.s32 $0xFFFFFFFF;
	p2 =	slt.u32 s8, $0xFFFFF086  }
0x1c: {  	p1 =	slt.u32 s9, $0xF7A;
	s5 =	simm.s32 @!p2 $0x0  }
0x1d: {  	s5 =	simm.s32 @p1 $0x1;
	p0 =	seq.s32 s7, s2  }
0x1e: {  	s7 =	smul.u32 @!p0 $0xF7A, s2;
	p2 =	seq.s32 @!p0 s5, $0x0  }
0x1f: {  	s9 =	smul.u32 $0xF7A, s1;
	s8 =	simm.s32 @!p0 $0x1BF5;
	p2 =	por !p2, p0  }
0x20: {  	[sflag:s8] =	ssyncset.s32 @!p0 $0xFFFFF086;
	s6 =	sadd.s32 @!p0 s3, s7;
	s7 =	simm.s32 @!p0 $0x108  }
0x21: {  	s3 =	sadd.s32 s3, s9;
	s6 =	sadd.s32 @!p0 $0x88, s6;
	s7 =	simm.s32 @p2 $0x1082  }
0x22: {  	[simem:s7], [sflag:s8] =	dma.local @!p0 [hbm:s6], $0xF7A  }
0x23: {  	s9 =	sor.u32 $0xD0000000, s2;
	s6 =	simm.s32 $0x108;
	_ =	swait.ge @!p0 [sflag:s8], $0x0  }
0x24: {  	s3 =	sadd.s32 $0x88, s3;
	s6 =	simm.s32 @!p1 $0x1082;
	[sflag:s4] =	ssyncset.s32 $0xFFFFF086  }
0x25: {  	[simem:s6], [sflag:s4] =	dma.local [hbm:s3], $0xF7A  }
0x26: {  	[smem:$0x3F9E] =	sst s1;
	(tag) =	ssettag s2;
	_ =	strace s9  }
0x27: {  	s1 =	sld [smem:$0x3FAE]  }
0x28: {  	s2 =	sld [smem:$0x3FAF]  }
0x29: {  	s4 =	sld [smem:$0x3FB1]  }
0x2a: {  	p0 =	seq.s32 s5, $0x0;
	s5 =	sld [smem:$0x3FB2]  }
0x2b: {  	s6 =	sld [smem:$0x3FB3]  }
0x2c: {  	s7 =	sld [smem:$0x3FB4]  }
0x2d: {  	s3 =	simm.s32 $0x108;
	s8 =	sld [smem:$0x3FB5]  }
0x2e: {  	s3 =	simm.s32 @!p0 $0x1082;
	s9 =	sld [smem:$0x3FB6]  }
0x2f: {  	lr =	sadd.s32 s0, s3;
	s0 =	sld [smem:$0x3FAD]  }
0x30: {  	s3 =	sld [smem:$0x3FB0]  }
0x31: {  	[smem:$0x3FB9] =	sst s10  }
0x32: {  	s10 =	sld [smem:$0x3FB7];
	_ =	sdelay $0x3  }
0x33: {  	p0 =	seq.s32 s10, $0x1;
	s10 =	sld [smem:$0x3FB9];
	_ =	sdelay $0x3  }
0x34: {  	[smem:$0x3FB9] =	sst s10  }
0x35: {  	s10 =	sld [smem:$0x3FB8];
	_ =	sdelay $0x3  }
0x36: {  	p1 =	seq.s32 s10, $0x1;
	s10 =	sld [smem:$0x3FB9];
	_ =	sdelay $0x3  }
0x37: {  	[smem:$0x3FB9] =	sst s10  }
0x38: {  	s10 =	sld [smem:$0x3FBA]  }
0x39: {  	_ = 	snop;
	(pc) =	sbr.ind lr, $3  }
0x3a: {  	_ = 	snop  }
0x3b: {  	_ = 	snop  }
0x3c: {  	p2 =	seq.s32 s10, $0x1;
	s10 =	sld [smem:$0x3FB9]  }
0x3d: {  	_ =	shalt  }
0x3e: {  	_ =	shalt  }
0x3f: {  	_ =	shalt  }
0x40: {  	_ =	shalt  }
0x41: {  	_ =	shalt  }
0x42: {  	_ =	shalt  }
0x43: {  	_ =	shalt  }
0x44: {  	_ =	shalt  }
0x45: {  	_ =	shalt  }
0x46: {  	_ =	shalt  }
0x47: {  	_ =	shalt  }
0x48: {  	_ =	shalt  }
0x49: {  	_ =	shalt  }
0x4a: {  	_ =	shalt  }
0x4b: {  	_ =	shalt  }
0x4c: {  	_ =	shalt  }
0x4d: {  	_ =	shalt  }
0x4e: {  	_ =	shalt  }
0x4f: {  	_ =	shalt  }
0x50: {  	_ =	shalt  }
0x51: {  	_ =	shalt  }
0x52: {  	_ =	shalt  }
0x53: {  	_ =	shalt  }
0x54: {  	_ =	shalt  }
0x55: {  	_ =	shalt  }
0x56: {  	_ =	shalt  }
0x57: {  	_ =	shalt  }
0x58: {  	_ =	shalt  }
0x59: {  	_ =	shalt  }
0x5a: {  	_ =	shalt  }
0x5b: {  	_ =	shalt  }
0x5c: {  	_ =	shalt  }
0x5d: {  	_ =	shalt  }
0x5e: {  	_ =	shalt  }
0x5f: {  	_ =	shalt  }
0x60: {  	_ =	shalt  }
0x61: {  	_ =	shalt  }
0x62: {  	_ =	shalt  }
0x63: {  	_ =	shalt  }
0x64: {  	_ =	shalt  }
0x65: {  	_ =	shalt  }
0x66: {  	_ =	shalt  }
0x67: {  	_ =	shalt  }
0x68: {  	_ =	shalt  }
0x69: {  	_ =	shalt  }
0x6a: {  	_ =	shalt  }
0x6b: {  	_ =	shalt  }
0x6c: {  	_ =	shalt  }
0x6d: {  	_ =	shalt  }
0x6e: {  	_ =	shalt  }
0x6f: {  	_ =	shalt  }
0x70: {  	_ =	shalt  }
0x71: {  	_ =	shalt  }
0x72: {  	_ =	shalt  }
0x73: {  	_ =	shalt  }
0x74: {  	_ =	shalt  }
0x75: {  	_ =	shalt  }
0x76: {  	_ =	shalt  }
0x77: {  	_ =	shalt  }
0x78: {  	_ =	shalt  }
0x79: {  	_ =	shalt  }
0x7a: {  	_ =	shalt  }
0x7b: {  	_ =	shalt  }
0x7c: {  	_ =	shalt  }
0x7d: {  	_ =	shalt  }
0x7e: {  	_ =	shalt  }
0x7f: {  	_ =	shalt  }
0x80: {  	_ =	shalt  }
0x81: {  	_ =	shalt  }
0x82: {  	_ =	shalt  }
0x83: {  	_ =	shalt  }
0x84: {  	_ =	shalt  }
0x85: {  	_ =	shalt  }
0x86: {  	_ =	shalt  }
0x87: {  	_ =	shalt  }
.Lfunc_end0:
.L_simem_size_0:
called_computation_lowered:
.L_overlay_start_0:
0x88: {  	s2 =	sld [smem:$0x3FD9]  }
0x89: {  	s3 =	sld [smem:$0x3FFE];
	_ =	sdelay $0x1  }
0x8a: {  	s1 =	srdreg.scid  }
0x8b: {  	s0 =	sand.u32 $0x1, s1  }
0x8c: {  	s17 =	sshll.u32 s0, $0xA;
	s2 =	sadd.s32 s3, s2  }
0x8d: {  	s2 =	sadd.s32 s2, s17  }
0x8e: {  	[smem:$0x3FC5] =	sst s2  }
0x8f: {  	_ = 	snop  }
0x90: {  	s2 =	sld [smem:$0x3FC7]  }
0x91: {  	s18 =	sld [smem:$0x3FD0];
	(tm) =	ssettm $0x1  }
0x92: {  	s4 =	sld [smem:$0x3FFB];
	_ =	sdelay $0x3  }
0x93: {  	_ =	strace s4  }
0x94: {  	s4 =	sld [smem:$0x3FFC];
	_ =	sdelay $0x3  }
0x95: {  	_ =	strace s4  }
0x96: {  	s4 =	sld [smem:$0x3FFD];
	_ =	sdelay $0x3  }
0x97: {  	_ =	strace s4  }
0x98: {  	_ =	strace $0x8FFFFFFF  }
0x99: {  	s19 =	sld [smem:$0x3FDB];
	_ =	sdelay $0x1  }
0x9a: {  	s5 =	simm.s32 $_scs_section_size  }
0x9b: {  	s6 =	simm.s32 $_size__tile_overlayer_lowered;
	s7 =	simm.s32 $_tile_overlayer_lowered  }
0x9c: {  	s22 =	simm.s32 $0x1BFF;
	s21 =	sshll.u32 s7, $0x1;
	s4 =	sadd.s32 s5, s19  }
0x9d: {  	s8 =	simm.s32 $0x0;
	s20 =	sshll.u32 s6, $0x1;
	s6 =	sadd.s32 s21, s4  }
0x9e: {  	[timem:s8], [sflag:s22] =	dma.local [hbm:s6], s20  }
0x9f: {  	_ =	swait.ge [sflag:s22], s20  }
0xa0: {  	s5 =	ssub.s32 $0x0, s20;
	[sflag:s22] =	ssyncset.done $0x0  }
0xa1: {  	[sflag:s22] =	ssyncadd.s32 s5;
	_ =	sdelay $0x1  }
0xa2: {  	s23 =	simm.s32 $0x1B8B  }
0xa3: {  	_ =	swait.ge [sflag:s23], $0x1  }
0xa4: {  	[sflag:s23] =	ssyncset.done $0x0  }
0xa5: {  	s25 =	simm.s32 $0x1B8E;
	s24 =	sld [smem:$0x3FFE];
	[sflag:s23] =	ssyncadd.s32 $0xFFFFFFFF  }
0xa6: {  	s26 =	simm.s32 $execute0_lowered;
	[smem:$0x3FD2] =	sst s25  }
0xa7: {  	s6 =	sshll.u32 s26, $0x1;
	_ =	strace $0x80000046;
	[dreg:$0x1] =	wrdreg $0xFFFFFFFF  }
0xa8: {  	s28 =	simm.s32 $_size_execute0_lowered;
	s4 =	sadd.s32 s4, s6;
	[dreg:$0x0] =	wrdreg $0x0  }
0xa9: {  	s6 =	sshll.u32 s28, $0x1;
	[dreg:$0x2] =	wrdreg s4  }
0xaa: {  	[dreg:$0x3] =	wrdreg s6  }
0xab: {  	[dreg:$0x4] =	wrdreg $0xC0  }
0xac: {  	_ =	task [dreg:s8], $0x5FFFF  }
0xad: {  	[dreg:$0x1] =	wrdreg $0xFFFFFFFF  }
0xae: {  	[dreg:$0x0] =	wrdreg $0x60  }
0xaf: {  	[dreg:$0x2] =	wrdreg s24  }
0xb0: {  	[dreg:$0x3] =	wrdreg s2  }
0xb1: {  	[dreg:$0x4] =	wrdreg s18  }
0xb2: {  	[dreg:$0x5] =	wrdreg $0x9  }
0xb3: {  	_ =	task.clear_ibuf [dreg:s8], $0x6FFFF;
	_ =	strace $0x90000046  }
0xb4: {  	s29 =	simm.s32 $0x9;
	_ =	strace $0x80000048  }
0xb5: {  	_ =	swait.ge [sflag:s29], $0x1  }
0xb6: {  	[sflag:s29] =	ssyncadd.s32 $0xFFFFFFFF  }
0xb7: {  	_ =	strace $0x90000048  }
0xb8: {  	_ =	sfence  }
0xb9: {  	s30 =	sld [smem:$0x0];
	_ =	sdelay $0x2  }
0xba: {  	s31 =	sshll.u32 s1, $0xD;
	s1 =	sshrl.u32 s1, $0x2  }
0xbb: {  	s3 =	sand.u32 $0x4000, s31;
	s1 =	sadd.s32 s1, s30  }
0xbc: {  	s0 =	sor.u32 s3, s0;
	s1 =	sshll.u32 s1, $0x11  }
0xbd: {  	s0 =	sor.u32 s1, s0  }
0xbe: {  	s0 =	sadd.s32 $0x8F2B, s0  }
0xbf: {  	[sflag:s0] =	ssyncadd.remote.s32 $0x1  }
0xc0: {  	_ =	sfence.sel $0xFFFF  }
0xc1: {  	[dreg:$0x0] =	wrdreg $0xFFFFFFFF;
	(pc) =	sbr.abs _section_cstart, $3  }
0xc2: {  	[dreg:$0x1] =	wrdreg $0xFFFFFFFF  }
0xc3: {  	_ =	task.clear_ibuf [dreg:s8], $0x2FFFF;
	_ =	strace $0x9FFFFFFF  }
0xc4: {  	(tm) =	ssettm $0x7FFFFFFF  }
0xc5: {  	_ =	shalt  }
tec
execute0_lowered:
.L_overlay_start_1:
0x0: {  	(tag) =	ssettag $0x1  }
0x1: {  	s5 =	rddreg [dreg:$0x0]  }
0x2: {  	s2 =	rddreg [dreg:$0x1]  }
0x3: {  	s3 =	rddreg [dreg:$0x2]  }
0x4: {  	s0 =	rddreg [dreg:$0x3]  }
0x5: {  	s6 =	srdreg.scid;
	s1 =	stileid.u32  }
0x6: {  	s4 =	simm.s32 $0x0;
	s10 =	simm.s32 $0x800;
	s11 =	simm.s32 $0x1000  }
0x7: {  	s12 =	simm.s32 $0x1800;
	s13 =	simm.s32 $0x1;
	s14 =	simm.s32 $0x1880  }
0x8: {  	s15 =	simm.s32 $0x5880;
	s6 =	sand.u32 $0x1, s6;
	s7 =	sshll.u32 s1, $0x1  }
0x9: {  	s16 =	simm.s32 $0x2;
	s17 =	simm.s32 $0x0;
	s7 =	sor.u32 s6, s7  }
0xa: {  	[smem:$0x7FF] =	sst s4;
	s6 =	ssub.s32 $0x2, s6;
	s8 =	sshll.u32 s7, $0x8  }
0xb: {  	_ =	strace $0x80000047;
	s9 =	sshrl.u32 s6, $0x1;
	s8 =	sadd.s32 s8, s5  }
0xc: {  	s9 =	ssub.s32 s6, s9;
	s5 =	sshll.u32 s7, $0x3;
	s6 =	sadd.s32 $0x800, s8  }
0xd: {  	v0 =	vimm.f32 $0.0e+00;
	s7 =	sadd.s32 $0x2800, s8;
	s8 =	sadd.s32 $0x4800, s8;
	s9 =	smax.u32 s9, $0x1  }
.LBB2_1:
0xe: {  	[tilespmem:s4], [sflag:$0x1] =	stream.linear.gather [hbm4b:s6+s4], $0x800, $0x38;
	[tilespmem:$0x9880] =	vst v63  }
0xf: {  	_ = 	snop  }
0x10: {  	[tilespmem:s10], [sflag:$0x1] =	stream.linear.gather [hbm4b:s7+s4], $0x800, $0x38;
	[tilespmem:$0x9880] =	vst v63  }
0x11: {  	_ = 	snop  }
0x12: {  	[tilespmem:s11], [sflag:$0x1] =	stream.linear.gather [hbm4b:s8+s4], $0x800, $0x38;
	[tilespmem:$0x9880] =	vst v63  }
0x13: {  	s18 =	simm.s32 $0x0;
	s19 =	simm.s32 $0x200  }
0x14: {  	[tilespmem:s12], [sflag:$0x1] =	stream.linear.gather [hbm4b:s2+s4], $0x80, $0x38;
	[tilespmem:$0x9880] =	vst v63  }
.LBB2_2:
0x15: {  	p0 =	sne.s32 s19, $0xFE00;
	[tilespmem:s18+$0x58F0] =	vst v0  }
0x16: {  	[tilespmem:s18+$0x1880] =	vst v0  }
0x17: {  	[tilespmem:s18+$0x1890] =	vst v0  }
0x18: {  	[tilespmem:s18+$0x18A0] =	vst v0  }
0x19: {  	[tilespmem:s18+$0x18B0] =	vst v0  }
0x1a: {  	[tilespmem:s18+$0x18C0] =	vst v0  }
0x1b: {  	[tilespmem:s18+$0x18D0] =	vst v0  }
0x1c: {  	[tilespmem:s18+$0x18E0] =	vst v0  }
0x1d: {  	[tilespmem:s18+$0x18F0] =	vst v0  }
0x1e: {  	[tilespmem:s18+$0x5880] =	vst v0  }
0x1f: {  	[tilespmem:s18+$0x5890] =	vst v0  }
.Ltmp0:
0x20: {  	[tilespmem:s18+$0x58A0] =	vst v0;
	(pc) =	sbr.rel @p0 .LBB2_2-.Ltmp0, $4  }
0x21: {  	[tilespmem:s18+$0x58B0] =	vst v0  }
0x22: {  	[tilespmem:s18+$0x58C0] =	vst v0  }
0x23: {  	[tilespmem:s18+$0x58D0] =	vst v0  }
0x24: {  	[tilespmem:s18+$0x58E0] =	vst v0;
	s18 =	sshra.s32 s19, $0x2;
	s19 =	sadd.s32 $0x200, s19  }
0x25: {  	[tilespmem:s18+$0x58F0] =	vst v0  }
0x26: {  	[tilespmem:s18+$0x1880] =	vst v0  }
0x27: {  	[tilespmem:s18+$0x1890] =	vst v0  }
0x28: {  	[tilespmem:s18+$0x18A0] =	vst v0  }
0x29: {  	[tilespmem:s18+$0x18B0] =	vst v0  }
0x2a: {  	[tilespmem:s18+$0x18C0] =	vst v0  }
0x2b: {  	[tilespmem:s18+$0x18D0] =	vst v0  }
0x2c: {  	[tilespmem:s18+$0x18E0] =	vst v0  }
0x2d: {  	[tilespmem:s18+$0x18F0] =	vst v0  }
0x2e: {  	[tilespmem:s18+$0x5880] =	vst v0  }
0x2f: {  	[tilespmem:s18+$0x5890] =	vst v0  }
0x30: {  	[tilespmem:s18+$0x58A0] =	vst v0  }
0x31: {  	[tilespmem:s18+$0x58B0] =	vst v0  }
0x32: {  	[tilespmem:s18+$0x58C0] =	vst v0  }
0x33: {  	[tilespmem:s18+$0x58D0] =	vst v0  }
0x34: {  	[tilespmem:s18+$0x58E0] =	vst v0  }
0x35: {  	_ =	swait.ge [sflag:s13], $0x800  }
0x36: {  	[sflag:s13] =	ssyncset.done $0x0  }
0x37: {  	[sflag:s13] =	ssyncadd.s32 $0xFFFFF800  }
0x38: {  	_ =	swait.ge [sflag:s13], $0x800  }
0x39: {  	[sflag:s13] =	ssyncset.done $0x0  }
0x3a: {  	[sflag:s13] =	ssyncadd.s32 $0xFFFFF800  }
0x3b: {  	_ =	swait.ge [sflag:s13], $0x800  }
0x3c: {  	[sflag:s13] =	ssyncset.done $0x0  }
0x3d: {  	[sflag:s13] =	ssyncadd.s32 $0xFFFFF800  }
0x3e: {  	s18 =	simm.s32 $0x0;
	s19 =	simm.s32 $0xFFFFFE00;
	_ =	swait.ge [sflag:s13], $0x80  }
0x3f: {  	s20 =	simm.s32 $0x600;
	s21 =	simm.s32 $0x100;
	[sflag:s13] =	ssyncset.done $0x0  }
0x40: {  	s22 =	simm.s32 $0x900;
	s23 =	simm.s32 $0x1100;
	[sflag:s13] =	ssyncadd.s32 $0xFFFFFF80  }
.LBB2_4:
0x41: {  	p0 =	seq.s32 s18, $0x0  }
.Ltmp1:
0x42: {  	_ = 	snop;
	(pc) =	sbr.rel @p0 .LBB2_8-.Ltmp1, $2  }
0x43: {  	_ =	sdelay $0x2  }
0x44: {  	s24 =	simm.s32 $0x0  }
0x45: {  	v1 =	vmov s19  }
0x46: {  	v2 =	vmov s20  }
0x47: {  	_ =	swait.ge [sflag:s13], $0x4000  }
0x48: {  	[sflag:s13] =	ssyncset.done $0x0  }
0x49: {  	s24 =	simm.s32 $0x0;
	[sflag:s13] =	ssyncadd.s32 $0xFFFFC000  }
0x4a: {  	v3 =	vld.idx.msk [tilespmem:v1+s24+$0x0 ss:$0x1], $0xffff  }
0x4b: {  	v4 =	vld.idx.msk [tilespmem:v2+s24+$0x0 ss:$0x1], $0xffff;
	_ =	sdelay $0x3  }
0x4c: {  	v3 =	vadd.s32 $0x1, v3  }
0x4d: {  	v4 =	vadd.s32 $0x1, v4;
	v5 =	vshll.u32 v3, $0x7  }
0x4e: {  	v5 =	vadd.s32 v5, v4  }
0x4f: {  	v4 =	vshll.u32 v4, $0x7  }
0x50: {  	v3 =	vadd.s32 v3, v4;
	_ =	sdelay $0x2  }
0x51: {  	s25 =	simm.s32 $0x40;
	s26 =	simm.s32 $0x80;
	s24 =	sshll.u32 s18, $0x9;
	[tilespmem:v5+s14+$0x0] =	vst.idx.msk $0xffff, v0  }
.LBB2_6:
0x52: {  	p1 =	sne.s32 s26, $0x3C0  }
0x53: {  	s28 =	sshra.s32 s25, $0x2;
	[tilespmem:v3+s14+$0x0] =	vst.idx.msk $0xffff, v0;
	s25 =	smov.u32 s26;
	s26 =	sadd.s32 $0x40, s26  }
0x54: {  	v3 =	vld.idx.msk [tilespmem:v1+s28+$0x0 ss:$0x1], $0xffff  }
0x55: {  	v4 =	vld.idx.msk [tilespmem:v2+s28+$0x0 ss:$0x1], $0xffff;
	_ =	sdelay $0x4  }
0x56: {  	v3 =	vadd.s32 $0x1, v3  }
0x57: {  	v4 =	vadd.s32 $0x1, v4;
	v5 =	vshll.u32 v3, $0x7  }
0x58: {  	v5 =	vadd.s32 v5, v4;
	v4 =	vshll.u32 v4, $0x7  }
.Ltmp2:
0x59: {  	v3 =	vadd.s32 v3, v4;
	(pc) =	sbr.rel @p1 .LBB2_6-.Ltmp2, $2  }
0x5a: {  	_ =	sdelay $0x2  }
0x5b: {  	[tilespmem:v5+s14+$0x0] =	vst.idx.msk $0xffff, v0  }
0x5c: {  	_ =	sdelay $0x3  }
0x5d: {  	s25 =	sshra.s32 s25, $0x2;
	[tilespmem:v3+s14+$0x0] =	vst.idx.msk $0xffff, v0  }
0x5e: {  	v1 =	vld.idx.msk [tilespmem:v1+s25+$0x0 ss:$0x1], $0xffff  }
0x5f: {  	v2 =	vld.idx.msk [tilespmem:v2+s25+$0x0 ss:$0x1], $0xffff;
	_ =	sdelay $0x3  }
0x60: {  	v1 =	vadd.s32 $0x1, v1  }
0x61: {  	v2 =	vadd.s32 $0x1, v2;
	v3 =	vshll.u32 v1, $0x7  }
0x62: {  	v3 =	vadd.s32 v3, v2;
	v2 =	vshll.u32 v2, $0x7  }
0x63: {  	v1 =	vadd.s32 v1, v2;
	_ =	sdelay $0x3  }
0x64: {  	[tilespmem:v3+s14+$0x0] =	vst.idx.msk $0xffff, v0  }
0x65: {  	[tilespmem:v1+s14+$0x0] =	vst.idx.msk $0xffff, v0  }
.LBB2_8:
0x66: {  	s24 =	sshll.u32 s24, $0x2  }
0x67: {  	s24 =	sshra.s32 s24, $0x2  }
0x68: {  	s25 =	sadd.s32 $0x1000, s24  }
0x69: {  	v3 =	vmov s25  }
0x6a: {  	s30 =	sadd.s32 $0x800, s24;
	v1 =	vmov s24  }
0x6b: {  	v2 =	vmov s30;
	_ =	sdelay $0x1  }
0x6c: {  	s31 =	simm.s32 $0x0  }
0x6d: {  	v4 =	vld.idx.msk [tilespmem:v3+s31+$0x0 ss:$0x1], $0xffff  }
0x6e: {  	v5 =	vld.idx.msk [tilespmem:v1+s31+$0x0 ss:$0x1], $0xffff  }
0x6f: {  	v6 =	vld.idx.msk [tilespmem:v2+s31+$0x0 ss:$0x1], $0xffff;
	_ =	sdelay $0x3  }
0x70: {  	v5 =	vadd.s32 $0x1, v5  }
0x71: {  	v6 =	vadd.s32 $0x1, v6;
	v7 =	vshll.u32 v5, $0x7  }
0x72: {  	v7 =	vadd.s32 v7, v6;
	v4 =	vld.idx.msk [tilespmem:v4+s12+$0x0], $0xffff  }
0x73: {  	v6 =	vshll.u32 v6, $0x7  }
0x74: {  	v5 =	vadd.s32 v5, v6;
	_ =	sdelay $0x2  }
0x75: {  	s26 =	simm.s32 $0x80;
	s24 =	sshll.u32 s18, $0x1;
	s25 =	simm.s32 $0x40;
	[tilespmem:v7+s14+$0x0] =	vst.idx.msk $0xffff, v4  }
.LBB2_9:
0x76: {  	p1 =	sne.s32 s26, $0x3C0  }
0x77: {  	s28 =	sshra.s32 s25, $0x2;
	[tilespmem:v5+s14+$0x0] =	vst.idx.msk $0xffff, v4;
	s25 =	smov.u32 s26;
	s26 =	sadd.s32 $0x40, s26  }
0x78: {  	v4 =	vld.idx.msk [tilespmem:v3+s28+$0x0 ss:$0x1], $0xffff  }
0x79: {  	v5 =	vld.idx.msk [tilespmem:v1+s28+$0x0 ss:$0x1], $0xffff  }
0x7a: {  	v6 =	vld.idx.msk [tilespmem:v2+s28+$0x0 ss:$0x1], $0xffff;
	_ =	sdelay $0x4  }
0x7b: {  	v5 =	vadd.s32 $0x1, v5  }
0x7c: {  	v6 =	vadd.s32 $0x1, v6;
	v7 =	vshll.u32 v5, $0x7;
	v4 =	vld.idx.msk [tilespmem:v4+s12+$0x0], $0xffff  }
0x7d: {  	v7 =	vadd.s32 v7, v6;
	v6 =	vshll.u32 v6, $0x7  }
.Ltmp3:
0x7e: {  	v5 =	vadd.s32 v5, v6;
	(pc) =	sbr.rel @p1 .LBB2_9-.Ltmp3, $2  }
0x7f: {  	_ =	sdelay $0x2  }
0x80: {  	[tilespmem:v7+s14+$0x0] =	vst.idx.msk $0xffff, v4  }
0x81: {  	_ =	sdelay $0x3  }
0x82: {  	s25 =	sshra.s32 s25, $0x2;
	[tilespmem:v5+s14+$0x0] =	vst.idx.msk $0xffff, v4  }
0x83: {  	v3 =	vld.idx.msk [tilespmem:v3+s25+$0x0 ss:$0x1], $0xffff  }
0x84: {  	v4 =	vld.idx.msk [tilespmem:v1+s25+$0x0 ss:$0x1], $0xffff  }
0x85: {  	v5 =	vld.idx.msk [tilespmem:v2+s25+$0x0 ss:$0x1], $0xffff;
	_ =	sdelay $0x3  }
0x86: {  	v4 =	vadd.s32 $0x1, v4  }
0x87: {  	v5 =	vadd.s32 $0x1, v5;
	v6 =	vshll.u32 v4, $0x7  }
0x88: {  	v6 =	vadd.s32 v6, v5;
	v5 =	vshll.u32 v5, $0x7;
	v3 =	vld.idx.msk [tilespmem:v3+s12+$0x0], $0xffff  }
0x89: {  	v4 =	vadd.s32 v4, v5;
	_ =	sdelay $0x1  }
.Ltmp4:
0x8a: {  	_ = 	snop;
	(pc) =	sbr.rel @p0 .LBB2_14-.Ltmp4, $4  }
0x8b: {  	s31 =	sadd.s32 s5, s24  }
0x8c: {  	s25 =	sshll.u32 s31, $0xB;
	[tilespmem:v6+s14+$0x0] =	vst.idx.msk $0xffff, v3  }
0x8d: {  	s25 =	sadd.s32 s3, s25;
	[tilespmem:v4+s14+$0x0] =	vst.idx.msk $0xffff, v3  }
0x8e: {  	[hbm4b:s25+s4] =	stream.linear.scatter [tilespmem:s14], [sflag:$0x1], $0x4000, $0x38;
	[tilespmem:$0x9880] =	vst v63  }
0x8f: {  	_ = 	snop  }
0x90: {  	_ =	swait.ge [sflag:s16], $0x4000  }
0x91: {  	[sflag:s16] =	ssyncset.done $0x0  }
0x92: {  	s25 =	simm.s32 $0xFFFFFF00;
	[sflag:s16] =	ssyncadd.s32 $0xFFFFC000  }
0x93: {  	v3 =	vld.idx.msk [tilespmem:v1+s25+$0x0 ss:$0x1], $0xffff  }
0x94: {  	v4 =	vld.idx.msk [tilespmem:v2+s25+$0x0 ss:$0x1], $0xffff;
	_ =	sdelay $0x3  }
0x95: {  	v3 =	vadd.s32 $0x1, v3  }
0x96: {  	v4 =	vadd.s32 $0x1, v4;
	v5 =	vshll.u32 v3, $0x7  }
0x97: {  	v5 =	vadd.s32 v5, v4  }
0x98: {  	v4 =	vshll.u32 v4, $0x7  }
0x99: {  	v3 =	vadd.s32 v3, v4;
	_ =	sdelay $0x2  }
0x9a: {  	s26 =	simm.s32 $0xFFFFFC80;
	s25 =	simm.s32 $0xFFFFFC40;
	[tilespmem:v5+s15+$0x0] =	vst.idx.msk $0xffff, v0  }
.LBB2_12:
0x9b: {  	p0 =	sne.s32 s26, $0xFFFFFFC0  }
0x9c: {  	s28 =	sshra.s32 s25, $0x2;
	[tilespmem:v3+s15+$0x0] =	vst.idx.msk $0xffff, v0;
	s25 =	smov.u32 s26;
	s26 =	sadd.s32 $0x40, s26  }
0x9d: {  	v3 =	vld.idx.msk [tilespmem:v1+s28+$0x0 ss:$0x1], $0xffff  }
0x9e: {  	v4 =	vld.idx.msk [tilespmem:v2+s28+$0x0 ss:$0x1], $0xffff;
	_ =	sdelay $0x4  }
0x9f: {  	v3 =	vadd.s32 $0x1, v3  }
0xa0: {  	v4 =	vadd.s32 $0x1, v4;
	v5 =	vshll.u32 v3, $0x7  }
0xa1: {  	v5 =	vadd.s32 v5, v4;
	v4 =	vshll.u32 v4, $0x7  }
.Ltmp5:
0xa2: {  	v3 =	vadd.s32 v3, v4;
	(pc) =	sbr.rel @p0 .LBB2_12-.Ltmp5, $2  }
0xa3: {  	_ =	sdelay $0x2  }
0xa4: {  	[tilespmem:v5+s15+$0x0] =	vst.idx.msk $0xffff, v0  }
0xa5: {  	_ =	sdelay $0x3  }
0xa6: {  	s25 =	sshra.s32 s25, $0x2;
	[tilespmem:v3+s15+$0x0] =	vst.idx.msk $0xffff, v0  }
0xa7: {  	v1 =	vld.idx.msk [tilespmem:v1+s25+$0x0 ss:$0x1], $0xffff  }
0xa8: {  	v2 =	vld.idx.msk [tilespmem:v2+s25+$0x0 ss:$0x1], $0xffff;
	_ =	sdelay $0x3  }
0xa9: {  	v1 =	vadd.s32 $0x1, v1  }
0xaa: {  	v2 =	vadd.s32 $0x1, v2;
	v3 =	vshll.u32 v1, $0x7  }
0xab: {  	v3 =	vadd.s32 v3, v2;
	v2 =	vshll.u32 v2, $0x7  }
0xac: {  	v1 =	vadd.s32 v1, v2;
	_ =	sdelay $0x3  }
0xad: {  	[tilespmem:v3+s15+$0x0] =	vst.idx.msk $0xffff, v0  }
0xae: {  	[tilespmem:v1+s15+$0x0] =	vst.idx.msk $0xffff, v0  }
.LBB2_14:
0xaf: {  	v3 =	vmov s23  }
0xb0: {  	v1 =	vmov s21  }
0xb1: {  	v2 =	vmov s22;
	_ =	sdelay $0x1  }
0xb2: {  	s25 =	simm.s32 $0x0  }
0xb3: {  	v4 =	vld.idx.msk [tilespmem:v3+s25+$0x0 ss:$0x1], $0xffff  }
0xb4: {  	v5 =	vld.idx.msk [tilespmem:v1+s25+$0x0 ss:$0x1], $0xffff  }
0xb5: {  	v6 =	vld.idx.msk [tilespmem:v2+s25+$0x0 ss:$0x1], $0xffff;
	_ =	sdelay $0x3  }
0xb6: {  	v5 =	vadd.s32 $0x1, v5  }
0xb7: {  	v6 =	vadd.s32 $0x1, v6;
	v7 =	vshll.u32 v5, $0x7  }
0xb8: {  	v7 =	vadd.s32 v7, v6;
	v4 =	vld.idx.msk [tilespmem:v4+s12+$0x0], $0xffff  }
0xb9: {  	v6 =	vshll.u32 v6, $0x7  }
0xba: {  	v5 =	vadd.s32 v5, v6;
	_ =	sdelay $0x2  }
0xbb: {  	s24 =	sor.u32 $0x1, s24;
	s26 =	simm.s32 $0x80;
	s25 =	simm.s32 $0x40;
	[tilespmem:v7+s15+$0x0] =	vst.idx.msk $0xffff, v4  }
.LBB2_15:
0xbc: {  	p0 =	sne.s32 s26, $0x3C0  }
0xbd: {  	s28 =	sshra.s32 s25, $0x2;
	[tilespmem:v5+s15+$0x0] =	vst.idx.msk $0xffff, v4;
	s25 =	smov.u32 s26;
	s26 =	sadd.s32 $0x40, s26  }
0xbe: {  	v4 =	vld.idx.msk [tilespmem:v3+s28+$0x0 ss:$0x1], $0xffff  }
0xbf: {  	v5 =	vld.idx.msk [tilespmem:v1+s28+$0x0 ss:$0x1], $0xffff  }
0xc0: {  	v6 =	vld.idx.msk [tilespmem:v2+s28+$0x0 ss:$0x1], $0xffff;
	_ =	sdelay $0x4  }
0xc1: {  	v5 =	vadd.s32 $0x1, v5  }
0xc2: {  	v6 =	vadd.s32 $0x1, v6;
	v7 =	vshll.u32 v5, $0x7;
	v4 =	vld.idx.msk [tilespmem:v4+s12+$0x0], $0xffff  }
0xc3: {  	v7 =	vadd.s32 v7, v6;
	v6 =	vshll.u32 v6, $0x7  }
.Ltmp6:
0xc4: {  	v5 =	vadd.s32 v5, v6;
	(pc) =	sbr.rel @p0 .LBB2_15-.Ltmp6, $2  }
0xc5: {  	_ =	sdelay $0x2  }
0xc6: {  	[tilespmem:v7+s15+$0x0] =	vst.idx.msk $0xffff, v4  }
0xc7: {  	_ =	sdelay $0x3  }
0xc8: {  	s25 =	sshra.s32 s25, $0x2;
	[tilespmem:v5+s15+$0x0] =	vst.idx.msk $0xffff, v4  }
0xc9: {  	v3 =	vld.idx.msk [tilespmem:v3+s25+$0x0 ss:$0x1], $0xffff  }
0xca: {  	v1 =	vld.idx.msk [tilespmem:v1+s25+$0x0 ss:$0x1], $0xffff  }
0xcb: {  	v2 =	vld.idx.msk [tilespmem:v2+s25+$0x0 ss:$0x1], $0xffff;
	_ =	sdelay $0x3  }
0xcc: {  	v1 =	vadd.s32 $0x1, v1  }
0xcd: {  	v2 =	vadd.s32 $0x1, v2;
	v63 =	vshll.u32 v1, $0x7  }
0xce: {  	v4 =	vadd.s32 v63, v2;
	v2 =	vshll.u32 v2, $0x7;
	v3 =	vld.idx.msk [tilespmem:v3+s12+$0x0], $0xffff  }
0xcf: {  	s18 =	sadd.s32 $0x1, s18;
	v1 =	vadd.s32 v1, v2  }
0xd0: {  	p0 =	sne.s32 s18, $0x4  }
.Ltmp7:
0xd1: {  	s24 =	sadd.s32 s5, s24;
	(pc) =	sbr.rel @p0 .LBB2_4-.Ltmp7, $4  }
0xd2: {  	s19 =	sadd.s32 $0x200, s19;
	s24 =	sshll.u32 s24, $0xB  }
0xd3: {  	s20 =	sadd.s32 $0x200, s20;
	s21 =	sadd.s32 $0x200, s21;
	s24 =	sand.u32 $0x1FFFF800, s24;
	[tilespmem:v4+s15+$0x0] =	vst.idx.msk $0xffff, v3  }
0xd4: {  	s22 =	sadd.s32 $0x200, s22;
	s23 =	sadd.s32 $0x200, s23;
	s24 =	sadd.s32 s3, s24;
	[tilespmem:v1+s15+$0x0] =	vst.idx.msk $0xffff, v3  }
0xd5: {  	[hbm4b:s24+s4] =	stream.linear.scatter [tilespmem:s15], [sflag:$0x2], $0x4000, $0x38;
	[tilespmem:$0x9880] =	vst v63  }
0xd6: {  	s17 =	sadd.s32 $0x1, s17  }
0xd7: {  	_ =	swait.ge [sflag:s13], $0x4000;
	p0 =	sne.s32 s17, s9  }
.Ltmp8:
0xd8: {  	[sflag:s13] =	ssyncset.done $0x0;
	(pc) =	sbr.rel @p0 .LBB2_1-.Ltmp8, $4  }
0xd9: {  	[sflag:s13] =	ssyncadd.s32 $0xFFFFC000  }
0xda: {  	_ =	swait.ge [sflag:s16], $0x4000  }
0xdb: {  	[sflag:s16] =	ssyncset.done $0x0  }
0xdc: {  	[sflag:s16] =	ssyncadd.s32 $0xFFFFC000  }
0xdd: {  	_ =	sfence.sel $0x180000  }
0xde: {  	[bflag:$0x0] =	sbarrier.arrive $0xFFFF  }
0xdf: {  	p0 =	sne.s32 s1, $0x0;
	_ =	strace $0x90000047  }
0xe0: {  	s0 =	sadd.s32 @!p0 $0x100000, s0;
	[bflag:$0x2] =	sbarrier.arrive $0xFFFF  }
0xe1: {  	[sflag:s0] =	ssyncadd.tile.s32 @!p0 $0x1;
	_ =	shalt  }
.Lfunc_end2:
_tile_overlayer_lowered:
.L_overlay_start_2:
0xe2: {  	(tag) =	ssettag $0x2  }
0xe3: {  	s0 =	rddreg [dreg:$0x0];
	s2 =	stileid.u32  }
0xe4: {  	s1 =	rddreg [dreg:$0x1];
	p0 =	sne.s32 s2, $0x0  }
0xe5: {  	s3 =	rddreg [dreg:$0x2];
	[bflag:$0x3] =	sbarrier.arrive $0xFFFF;
	s2 =	simm.s32 @!p0 $0x1C03  }
0xe6: {  	[timem:s3], [sflag:s2] =	dma.local @!p0 [hbm:s0], s1  }
0xe7: {  	s0 =	simm.s32 @!p0 $0x3  }
0xe8: {  	_ =	swait.ge @!p0 [sflag:s0], s1  }
0xe9: {  	s1 =	ssub.s32 @!p0 $0x0, s1;
	[sflag:s0] =	ssyncset.done @!p0 $0x0  }
0xea: {  	[sflag:s0] =	ssyncadd.s32 @!p0 s1  }
0xeb: {  	[bflag:$0x3] =	sbarrier.arrive $0xFFFF  }
0xec: {  	_ =	shalt  }

</sc_bundles>
